<compile_context>
chip_gen: v7x
topology: tpu7x:2x2x1
jax: 0.10.2.dev20260603
libtpu: 0.0.44.dev20260713+nightly
codegen_flags: <defaults>
</compile_context>

<pallas_src>
import functools

import jax
import jax.numpy as jnp
from jax import lax
from jax.experimental import pallas as pl
from jax.experimental.pallas import tpu as pltpu
from jax.experimental.pallas import tpu_sc as plsc

D = 32
V = 100000
B = 16384
NT = 4
NC, NS = 2, 16
NW = NC * NS
BPW = B // NW

TBLK = 3584
NQ = 4
TGRID = 7
V2 = TGRID * TBLK
L = 16


def _tr_body(*refs):
    ws, outs = refs[: NT * NQ], refs[NT * NQ :]
    for c in range(NT):
        stack = jnp.concatenate([ws[c * NQ + q][...] for q in range(NQ)], axis=0)
        outs[c][...] = jnp.transpose(stack)


_tc_transpose = pl.pallas_call(
    _tr_body,
    grid=(TGRID,),
    in_specs=[
        pl.BlockSpec(
            (D, TBLK),
            functools.partial(
                lambda q, i: (0, jnp.minimum(q * TGRID + i, (V - 1) // TBLK)), q
            ),
        )
        for _ in range(NT)
        for q in range(NQ)
    ],
    out_specs=[
        pl.BlockSpec((TBLK, NQ * D), lambda i: (i, 0)) for _ in range(NT)
    ],
    out_shape=[
        jax.ShapeDtypeStruct((V2, NQ * D), jnp.float32) for _ in range(NT)
    ],
)


@functools.partial(
    pl.kernel,
    mesh=plsc.VectorSubcoreMesh(core_axis_name="c", subcore_axis_name="s"),
    out_type=jax.ShapeDtypeStruct((B, NT * D), jnp.float32),
    scratch_types=[
        pltpu.VMEM((NT * BPW,), jnp.int32),
        pltpu.VMEM((NT, BPW, D), jnp.float32),
        pltpu.SemaphoreType.DMA,
        pltpu.SemaphoreType.DMA,
    ],
    compiler_params=pltpu.CompilerParams(use_tc_tiling_on_sc=False),
)
def _gather4(xt, w0, w1, w2, w3, out, idx_v, rows_v, sem, wsem):
    wid = lax.axis_index("s") * NC + lax.axis_index("c")
    base = wid * BPW
    pltpu.sync_copy(xt.at[pl.ds(base * NT, NT * BPW)], idx_v)

    tables = (w0, w1, w2, w3)
    copies = []
    for c in range(NT):
        copies.append(
            pltpu.async_copy(
                tables[c].at[idx_v.at[pl.ds(c * BPW, BPW)]], rows_v.at[c], sem
            )
        )
    writes = []
    for c in range(NT):
        copies[c].wait()
        writes.append(
            pltpu.async_copy(
                rows_v.at[c], out.at[pl.ds(base, BPW), pl.ds(c * D, D)], wsem
            )
        )
    for c in range(NT):
        writes[c].wait()


def kernel(x, W0, W1, W2, W3):
    lin = _tc_transpose(
        jnp.transpose(W0), jnp.transpose(W0), jnp.transpose(W0), jnp.transpose(W0),
        jnp.transpose(W1), jnp.transpose(W1), jnp.transpose(W1), jnp.transpose(W1),
        jnp.transpose(W2), jnp.transpose(W2), jnp.transpose(W2), jnp.transpose(W2),
        jnp.transpose(W3), jnp.transpose(W3), jnp.transpose(W3), jnp.transpose(W3),
    )
    tabs = [l.reshape(NQ * V2, D) for l in lin]
    n = x.astype(jnp.int32)
    m = NQ * (n % V2) + n // V2
    xt = jnp.transpose(m.reshape(NW, BPW, NT), (0, 2, 1)).reshape(-1)
    return _gather4(xt, *tabs)

# --- scband reference (transcript-rebuilt; emitter-appended) ---
"""Pipeline reference for scband-topology-encoder-76510547411187 (READ-ONLY COPY).

The authoritative reference and input builder live on the scoring server;
editing this copy changes nothing except your own understanding.
"""

import jax, jax.numpy as jnp
import numpy as np

NUM_EMBEDDINGS = 100000
EMBED_DIM = 32
BATCH = 16384


def setup_inputs(seed: int = 0) -> dict:
    key = jax.random.key(seed)
    kx, k0, k1, k2, k3 = jax.random.split(key, 5)
    x = jax.random.randint(kx, (BATCH, 4), 0, NUM_EMBEDDINGS, dtype=jnp.int64 if jax.config.jax_enable_x64 else jnp.int32)
    W0 = jax.random.normal(k0, (NUM_EMBEDDINGS, EMBED_DIM), dtype=jnp.float32)
    W1 = jax.random.normal(k1, (NUM_EMBEDDINGS, EMBED_DIM), dtype=jnp.float32)
    W2 = jax.random.normal(k2, (NUM_EMBEDDINGS, EMBED_DIM), dtype=jnp.float32)
    W3 = jax.random.normal(k3, (NUM_EMBEDDINGS, EMBED_DIM), dtype=jnp.float32)
    return {"x": x, "W0": W0, "W1": W1, "W2": W2, "W3": W3}


def reference(x, W0, W1, W2, W3):
    # Each column of x indexes its own embedding table; concatenate along feature dim.
    o0 = jnp.take(W0, x[:, 0], axis=0)
    o1 = jnp.take(W1, x[:, 1], axis=0)
    o2 = jnp.take(W2, x[:, 2], axis=0)
    o3 = jnp.take(W3, x[:, 3], axis=0)
    return jnp.concatenate([o0, o1, o2, o3], axis=1)

if __name__ == "__main__":
    import jax
    _d = setup_inputs()
    print(jax.jit(kernel)(*tuple(_d.values())))

</pallas_src>

<mosaic_0001>
#map = affine_map<(d0, d1) -> (0)>
#map1 = affine_map<(d0, d1) -> (0, 0)>
module attributes {stable_mosaic.version = 14 : i64} {
  func.func @_gather4(%arg0: i32, %arg1: i32, %arg2: memref<65536xi32, #tpu.memory_space<hbm>>, %arg3: memref<100352x32xf32, #tpu.memory_space<hbm>>, %arg4: memref<100352x32xf32, #tpu.memory_space<hbm>>, %arg5: memref<100352x32xf32, #tpu.memory_space<hbm>>, %arg6: memref<100352x32xf32, #tpu.memory_space<hbm>>, %arg7: memref<16384x128xf32, #tpu.memory_space<hbm>>, %arg8: memref<2048xi32, #tpu.memory_space<vmem>>, %arg9: memref<4x512x32xf32, #tpu.memory_space<vmem>>, %arg10: memref<!tpu.dma_semaphore, #tpu.memory_space<semaphore_mem>>, %arg11: memref<!tpu.dma_semaphore, #tpu.memory_space<semaphore_mem>>) attributes {dimension_semantics = [#tpu.dimension_semantics<core_parallel>, #tpu.dimension_semantics<subcore_parallel>], iteration_bounds = array<i64: 2, 16>, scalar_prefetch = 0 : i64, scratch_operands = 4 : i64, tpu.core_type = #tpu.core_type<sc_vector_subcore>, window_params = [{transform_indices = #map}, {transform_indices = #map1}, {transform_indices = #map1}, {transform_indices = #map1}, {transform_indices = #map1}, {transform_indices = #map1}]} {
    %mul3A = arith.constant 2 : i32
    %mul3A_0 = arith.muli %arg1, %mul3A : i32
    %add3A = arith.addi %mul3A_0, %arg0 : i32
    %mul3A_1 = arith.constant 512 : i32
    %mul3A_2 = arith.muli %add3A, %mul3A_1 : i32
    %mul3A_3 = arith.constant 4 : i32
    %mul3A_4 = arith.muli %mul3A_2, %mul3A_3 : i32
    "tpu.region"() ({
      %run_scoped3A = tpu.sem_alloc : memref<!tpu.dma_semaphore, #tpu.memory_space<semaphore_mem>>
      %dma_start3A_187 = tpu.memref_slice %arg2[%mul3A_4] : memref<65536xi32, #tpu.memory_space<hbm>> -> memref<2048xi32, #tpu.memory_space<hbm>>
      %dma_start3A_188 = tpu.memref_slice %arg2[%mul3A_4] : memref<65536xi32, #tpu.memory_space<hbm>> -> memref<2048xi32, #tpu.memory_space<hbm>>
      tpu.enqueue_dma source(%dma_start3A_188 : memref<2048xi32, #tpu.memory_space<hbm>>) target(%arg8 : memref<2048xi32, #tpu.memory_space<vmem>>) target_semaphore(%run_scoped3A : memref<!tpu.dma_semaphore, #tpu.memory_space<semaphore_mem>>)
      %dma_wait3A_189 = tpu.memref_slice %arg2[%mul3A_4] : memref<65536xi32, #tpu.memory_space<hbm>> -> memref<2048xi32, #tpu.memory_space<hbm>>
      %dma_wait3A_190 = tpu.memref_slice %arg2[%mul3A_4] : memref<65536xi32, #tpu.memory_space<hbm>> -> memref<2048xi32, #tpu.memory_space<hbm>>
      tpu.wait_dma2 semaphore(%run_scoped3A : memref<!tpu.dma_semaphore, #tpu.memory_space<semaphore_mem>>) src(%dma_wait3A_190 : memref<2048xi32, #tpu.memory_space<hbm>>) dst(%arg8 : memref<2048xi32, #tpu.memory_space<vmem>>)
      tpu.yield
    }) : () -> ()
    %dma_start3A = arith.constant 0 : i32
    %dma_start3A_5 = arith.constant 0 : i32
    %dma_start3A_6 = arith.constant 0 : i32
    %dma_start3A_7 = tpu.memref_slice %arg9[%dma_start3A, %dma_start3A_5, %dma_start3A_6] : memref<4x512x32xf32, #tpu.memory_space<vmem>> -> memref<1x512x32xf32, #tpu.memory_space<vmem>>
    %dma_start3A_8 = tpu.memref_squeeze %dma_start3A_7 : memref<1x512x32xf32, #tpu.memory_space<vmem>> -> memref<512x32xf32, #tpu.memory_space<vmem>>
    %dma_start3A_9 = arith.constant 0 : i32
    %dma_start3A_10 = tpu.memref_slice %arg8[%dma_start3A_9] : memref<2048xi32, #tpu.memory_space<vmem>> -> memref<512xi32, #tpu.memory_space<vmem>>
    %dma_start3A_11 = arith.constant 0 : i32
    %dma_start3A_12 = arith.constant 0 : i32
    %dma_start3A_13 = tpu.memref_slice %arg3[%dma_start3A_11, %dma_start3A_12] : memref<100352x32xf32, #tpu.memory_space<hbm>> -> memref<100352x32xf32, #tpu.memory_space<hbm>>
    tpu.enqueue_indirect_dma source(%dma_start3A_13 : memref<100352x32xf32, #tpu.memory_space<hbm>>) target(%dma_start3A_8 : memref<512x32xf32, #tpu.memory_space<vmem>>) offsets(%dma_start3A_10 : memref<512xi32, #tpu.memory_space<vmem>>) semaphore(%arg10 : memref<!tpu.dma_semaphore, #tpu.memory_space<semaphore_mem>>)
    %dma_start3A_14 = arith.constant 1 : i32
    %dma_start3A_15 = arith.constant 0 : i32
    %dma_start3A_16 = arith.constant 0 : i32
    %dma_start3A_17 = tpu.memref_slice %arg9[%dma_start3A_14, %dma_start3A_15, %dma_start3A_16] : memref<4x512x32xf32, #tpu.memory_space<vmem>> -> memref<1x512x32xf32, #tpu.memory_space<vmem>>
    %dma_start3A_18 = tpu.memref_squeeze %dma_start3A_17 : memref<1x512x32xf32, #tpu.memory_space<vmem>> -> memref<512x32xf32, #tpu.memory_space<vmem>>
    %dma_start3A_19 = arith.constant 512 : i32
    %dma_start3A_20 = tpu.memref_slice %arg8[%dma_start3A_19] : memref<2048xi32, #tpu.memory_space<vmem>> -> memref<512xi32, #tpu.memory_space<vmem>>
    %dma_start3A_21 = arith.constant 0 : i32
    %dma_start3A_22 = arith.constant 0 : i32
    %dma_start3A_23 = tpu.memref_slice %arg4[%dma_start3A_21, %dma_start3A_22] : memref<100352x32xf32, #tpu.memory_space<hbm>> -> memref<100352x32xf32, #tpu.memory_space<hbm>>
    tpu.enqueue_indirect_dma source(%dma_start3A_23 : memref<100352x32xf32, #tpu.memory_space<hbm>>) target(%dma_start3A_18 : memref<512x32xf32, #tpu.memory_space<vmem>>) offsets(%dma_start3A_20 : memref<512xi32, #tpu.memory_space<vmem>>) semaphore(%arg10 : memref<!tpu.dma_semaphore, #tpu.memory_space<semaphore_mem>>)
    %dma_start3A_24 = arith.constant 2 : i32
    %dma_start3A_25 = arith.constant 0 : i32
    %dma_start3A_26 = arith.constant 0 : i32
    %dma_start3A_27 = tpu.memref_slice %arg9[%dma_start3A_24, %dma_start3A_25, %dma_start3A_26] : memref<4x512x32xf32, #tpu.memory_space<vmem>> -> memref<1x512x32xf32, #tpu.memory_space<vmem>>
    %dma_start3A_28 = tpu.memref_squeeze %dma_start3A_27 : memref<1x512x32xf32, #tpu.memory_space<vmem>> -> memref<512x32xf32, #tpu.memory_space<vmem>>
    %dma_start3A_29 = arith.constant 1024 : i32
    %dma_start3A_30 = tpu.memref_slice %arg8[%dma_start3A_29] : memref<2048xi32, #tpu.memory_space<vmem>> -> memref<512xi32, #tpu.memory_space<vmem>>
    %dma_start3A_31 = arith.constant 0 : i32
    %dma_start3A_32 = arith.constant 0 : i32
    %dma_start3A_33 = tpu.memref_slice %arg5[%dma_start3A_31, %dma_start3A_32] : memref<100352x32xf32, #tpu.memory_space<hbm>> -> memref<100352x32xf32, #tpu.memory_space<hbm>>
    tpu.enqueue_indirect_dma source(%dma_start3A_33 : memref<100352x32xf32, #tpu.memory_space<hbm>>) target(%dma_start3A_28 : memref<512x32xf32, #tpu.memory_space<vmem>>) offsets(%dma_start3A_30 : memref<512xi32, #tpu.memory_space<vmem>>) semaphore(%arg10 : memref<!tpu.dma_semaphore, #tpu.memory_space<semaphore_mem>>)
    %dma_start3A_34 = arith.constant 3 : i32
    %dma_start3A_35 = arith.constant 0 : i32
    %dma_start3A_36 = arith.constant 0 : i32
    %dma_start3A_37 = tpu.memref_slice %arg9[%dma_start3A_34, %dma_start3A_35, %dma_start3A_36] : memref<4x512x32xf32, #tpu.memory_space<vmem>> -> memref<1x512x32xf32, #tpu.memory_space<vmem>>
    %dma_start3A_38 = tpu.memref_squeeze %dma_start3A_37 : memref<1x512x32xf32, #tpu.memory_space<vmem>> -> memref<512x32xf32, #tpu.memory_space<vmem>>
    %dma_start3A_39 = arith.constant 1536 : i32
    %dma_start3A_40 = tpu.memref_slice %arg8[%dma_start3A_39] : memref<2048xi32, #tpu.memory_space<vmem>> -> memref<512xi32, #tpu.memory_space<vmem>>
    %dma_start3A_41 = arith.constant 0 : i32
    %dma_start3A_42 = arith.constant 0 : i32
    %dma_start3A_43 = tpu.memref_slice %arg6[%dma_start3A_41, %dma_start3A_42] : memref<100352x32xf32, #tpu.memory_space<hbm>> -> memref<100352x32xf32, #tpu.memory_space<hbm>>
    tpu.enqueue_indirect_dma source(%dma_start3A_43 : memref<100352x32xf32, #tpu.memory_space<hbm>>) target(%dma_start3A_38 : memref<512x32xf32, #tpu.memory_space<vmem>>) offsets(%dma_start3A_40 : memref<512xi32, #tpu.memory_space<vmem>>) semaphore(%arg10 : memref<!tpu.dma_semaphore, #tpu.memory_space<semaphore_mem>>)
    %dma_wait3A = arith.constant 0 : i32
    %dma_wait3A_44 = arith.constant 0 : i32
    %dma_wait3A_45 = arith.constant 0 : i32
    %dma_wait3A_46 = tpu.memref_slice %arg9[%dma_wait3A, %dma_wait3A_44, %dma_wait3A_45] : memref<4x512x32xf32, #tpu.memory_space<vmem>> -> memref<1x512x32xf32, #tpu.memory_space<vmem>>
    %dma_wait3A_47 = tpu.memref_squeeze %dma_wait3A_46 : memref<1x512x32xf32, #tpu.memory_space<vmem>> -> memref<512x32xf32, #tpu.memory_space<vmem>>
    %dma_wait3A_48 = arith.constant 0 : i32
    %dma_wait3A_49 = tpu.memref_slice %arg8[%dma_wait3A_48] : memref<2048xi32, #tpu.memory_space<vmem>> -> memref<512xi32, #tpu.memory_space<vmem>>
    %dma_wait3A_50 = arith.constant 0 : i32
    %dma_wait3A_51 = arith.constant 0 : i32
    %dma_wait3A_52 = tpu.memref_slice %arg3[%dma_wait3A_50, %dma_wait3A_51] : memref<100352x32xf32, #tpu.memory_space<hbm>> -> memref<100352x32xf32, #tpu.memory_space<hbm>>
    tpu.wait_indirect_dma semaphore(%arg10 : memref<!tpu.dma_semaphore, #tpu.memory_space<semaphore_mem>>) src(%dma_wait3A_52 : memref<100352x32xf32, #tpu.memory_space<hbm>>) dst(%dma_wait3A_47 : memref<512x32xf32, #tpu.memory_space<vmem>>)
    %dma_start3A_53 = arith.constant 0 : i32
    %dma_start3A_54 = arith.constant 0 : i32
    %dma_start3A_55 = arith.constant 0 : i32
    %dma_start3A_56 = tpu.memref_slice %arg9[%dma_start3A_53, %dma_start3A_54, %dma_start3A_55] : memref<4x512x32xf32, #tpu.memory_space<vmem>> -> memref<1x512x32xf32, #tpu.memory_space<vmem>>
    %dma_start3A_57 = tpu.memref_squeeze %dma_start3A_56 : memref<1x512x32xf32, #tpu.memory_space<vmem>> -> memref<512x32xf32, #tpu.memory_space<vmem>>
    %dma_start3A_58 = arith.constant 0 : i32
    %dma_start3A_59 = tpu.memref_slice %arg7[%mul3A_2, %dma_start3A_58] : memref<16384x128xf32, #tpu.memory_space<hbm>> -> memref<512x32xf32, #tpu.memory_space<hbm>>
    %dma_start3A_60 = arith.constant 0 : i32
    %dma_start3A_61 = tpu.memref_slice %arg7[%mul3A_2, %dma_start3A_60] : memref<16384x128xf32, #tpu.memory_space<hbm>> -> memref<512x32xf32, #tpu.memory_space<hbm>>
    %dma_start3A_62 = arith.constant 0 : i32
    %dma_start3A_63 = arith.constant 0 : i32
    %dma_start3A_64 = tpu.memref_slice %arg9[%dma_start3A_53, %dma_start3A_62, %dma_start3A_63] : memref<4x512x32xf32, #tpu.memory_space<vmem>> -> memref<1x512x32xf32, #tpu.memory_space<vmem>>
    %dma_start3A_65 = tpu.memref_squeeze %dma_start3A_64 : memref<1x512x32xf32, #tpu.memory_space<vmem>> -> memref<512x32xf32, #tpu.memory_space<vmem>>
    tpu.enqueue_dma source(%dma_start3A_65 : memref<512x32xf32, #tpu.memory_space<vmem>>) target(%dma_start3A_61 : memref<512x32xf32, #tpu.memory_space<hbm>>) target_semaphore(%arg11 : memref<!tpu.dma_semaphore, #tpu.memory_space<semaphore_mem>>)
    %dma_wait3A_66 = arith.constant 1 : i32
    %dma_wait3A_67 = arith.constant 0 : i32
    %dma_wait3A_68 = arith.constant 0 : i32
    %dma_wait3A_69 = tpu.memref_slice %arg9[%dma_wait3A_66, %dma_wait3A_67, %dma_wait3A_68] : memref<4x512x32xf32, #tpu.memory_space<vmem>> -> memref<1x512x32xf32, #tpu.memory_space<vmem>>
    %dma_wait3A_70 = tpu.memref_squeeze %dma_wait3A_69 : memref<1x512x32xf32, #tpu.memory_space<vmem>> -> memref<512x32xf32, #tpu.memory_space<vmem>>
    %dma_wait3A_71 = arith.constant 512 : i32
    %dma_wait3A_72 = tpu.memref_slice %arg8[%dma_wait3A_71] : memref<2048xi32, #tpu.memory_space<vmem>> -> memref<512xi32, #tpu.memory_space<vmem>>
    %dma_wait3A_73 = arith.constant 0 : i32
    %dma_wait3A_74 = arith.constant 0 : i32
    %dma_wait3A_75 = tpu.memref_slice %arg4[%dma_wait3A_73, %dma_wait3A_74] : memref<100352x32xf32, #tpu.memory_space<hbm>> -> memref<100352x32xf32, #tpu.memory_space<hbm>>
    tpu.wait_indirect_dma semaphore(%arg10 : memref<!tpu.dma_semaphore, #tpu.memory_space<semaphore_mem>>) src(%dma_wait3A_75 : memref<100352x32xf32, #tpu.memory_space<hbm>>) dst(%dma_wait3A_70 : memref<512x32xf32, #tpu.memory_space<vmem>>)
    %dma_start3A_76 = arith.constant 1 : i32
    %dma_start3A_77 = arith.constant 0 : i32
    %dma_start3A_78 = arith.constant 0 : i32
    %dma_start3A_79 = tpu.memref_slice %arg9[%dma_start3A_76, %dma_start3A_77, %dma_start3A_78] : memref<4x512x32xf32, #tpu.memory_space<vmem>> -> memref<1x512x32xf32, #tpu.memory_space<vmem>>
    %dma_start3A_80 = tpu.memref_squeeze %dma_start3A_79 : memref<1x512x32xf32, #tpu.memory_space<vmem>> -> memref<512x32xf32, #tpu.memory_space<vmem>>
    %dma_start3A_81 = arith.constant 32 : i32
    %dma_start3A_82 = tpu.memref_slice %arg7[%mul3A_2, %dma_start3A_81] : memref<16384x128xf32, #tpu.memory_space<hbm>> -> memref<512x32xf32, #tpu.memory_space<hbm>>
    %dma_start3A_83 = arith.constant 32 : i32
    %dma_start3A_84 = tpu.memref_slice %arg7[%mul3A_2, %dma_start3A_83] : memref<16384x128xf32, #tpu.memory_space<hbm>> -> memref<512x32xf32, #tpu.memory_space<hbm>>
    %dma_start3A_85 = arith.constant 0 : i32
    %dma_start3A_86 = arith.constant 0 : i32
    %dma_start3A_87 = tpu.memref_slice %arg9[%dma_start3A_76, %dma_start3A_85, %dma_start3A_86] : memref<4x512x32xf32, #tpu.memory_space<vmem>> -> memref<1x512x32xf32, #tpu.memory_space<vmem>>
    %dma_start3A_88 = tpu.memref_squeeze %dma_start3A_87 : memref<1x512x32xf32, #tpu.memory_space<vmem>> -> memref<512x32xf32, #tpu.memory_space<vmem>>
    tpu.enqueue_dma source(%dma_start3A_88 : memref<512x32xf32, #tpu.memory_space<vmem>>) target(%dma_start3A_84 : memref<512x32xf32, #tpu.memory_space<hbm>>) target_semaphore(%arg11 : memref<!tpu.dma_semaphore, #tpu.memory_space<semaphore_mem>>)
    %dma_wait3A_89 = arith.constant 2 : i32
    %dma_wait3A_90 = arith.constant 0 : i32
    %dma_wait3A_91 = arith.constant 0 : i32
    %dma_wait3A_92 = tpu.memref_slice %arg9[%dma_wait3A_89, %dma_wait3A_90, %dma_wait3A_91] : memref<4x512x32xf32, #tpu.memory_space<vmem>> -> memref<1x512x32xf32, #tpu.memory_space<vmem>>
    %dma_wait3A_93 = tpu.memref_squeeze %dma_wait3A_92 : memref<1x512x32xf32, #tpu.memory_space<vmem>> -> memref<512x32xf32, #tpu.memory_space<vmem>>
    %dma_wait3A_94 = arith.constant 1024 : i32
    %dma_wait3A_95 = tpu.memref_slice %arg8[%dma_wait3A_94] : memref<2048xi32, #tpu.memory_space<vmem>> -> memref<512xi32, #tpu.memory_space<vmem>>
    %dma_wait3A_96 = arith.constant 0 : i32
    %dma_wait3A_97 = arith.constant 0 : i32
    %dma_wait3A_98 = tpu.memref_slice %arg5[%dma_wait3A_96, %dma_wait3A_97] : memref<100352x32xf32, #tpu.memory_space<hbm>> -> memref<100352x32xf32, #tpu.memory_space<hbm>>
    tpu.wait_indirect_dma semaphore(%arg10 : memref<!tpu.dma_semaphore, #tpu.memory_space<semaphore_mem>>) src(%dma_wait3A_98 : memref<100352x32xf32, #tpu.memory_space<hbm>>) dst(%dma_wait3A_93 : memref<512x32xf32, #tpu.memory_space<vmem>>)
    %dma_start3A_99 = arith.constant 2 : i32
    %dma_start3A_100 = arith.constant 0 : i32
    %dma_start3A_101 = arith.constant 0 : i32
    %dma_start3A_102 = tpu.memref_slice %arg9[%dma_start3A_99, %dma_start3A_100, %dma_start3A_101] : memref<4x512x32xf32, #tpu.memory_space<vmem>> -> memref<1x512x32xf32, #tpu.memory_space<vmem>>
    %dma_start3A_103 = tpu.memref_squeeze %dma_start3A_102 : memref<1x512x32xf32, #tpu.memory_space<vmem>> -> memref<512x32xf32, #tpu.memory_space<vmem>>
    %dma_start3A_104 = arith.constant 64 : i32
    %dma_start3A_105 = tpu.memref_slice %arg7[%mul3A_2, %dma_start3A_104] : memref<16384x128xf32, #tpu.memory_space<hbm>> -> memref<512x32xf32, #tpu.memory_space<hbm>>
    %dma_start3A_106 = arith.constant 64 : i32
    %dma_start3A_107 = tpu.memref_slice %arg7[%mul3A_2, %dma_start3A_106] : memref<16384x128xf32, #tpu.memory_space<hbm>> -> memref<512x32xf32, #tpu.memory_space<hbm>>
    %dma_start3A_108 = arith.constant 0 : i32
    %dma_start3A_109 = arith.constant 0 : i32
    %dma_start3A_110 = tpu.memref_slice %arg9[%dma_start3A_99, %dma_start3A_108, %dma_start3A_109] : memref<4x512x32xf32, #tpu.memory_space<vmem>> -> memref<1x512x32xf32, #tpu.memory_space<vmem>>
    %dma_start3A_111 = tpu.memref_squeeze %dma_start3A_110 : memref<1x512x32xf32, #tpu.memory_space<vmem>> -> memref<512x32xf32, #tpu.memory_space<vmem>>
    tpu.enqueue_dma source(%dma_start3A_111 : memref<512x32xf32, #tpu.memory_space<vmem>>) target(%dma_start3A_107 : memref<512x32xf32, #tpu.memory_space<hbm>>) target_semaphore(%arg11 : memref<!tpu.dma_semaphore, #tpu.memory_space<semaphore_mem>>)
    %dma_wait3A_112 = arith.constant 3 : i32
    %dma_wait3A_113 = arith.constant 0 : i32
    %dma_wait3A_114 = arith.constant 0 : i32
    %dma_wait3A_115 = tpu.memref_slice %arg9[%dma_wait3A_112, %dma_wait3A_113, %dma_wait3A_114] : memref<4x512x32xf32, #tpu.memory_space<vmem>> -> memref<1x512x32xf32, #tpu.memory_space<vmem>>
    %dma_wait3A_116 = tpu.memref_squeeze %dma_wait3A_115 : memref<1x512x32xf32, #tpu.memory_space<vmem>> -> memref<512x32xf32, #tpu.memory_space<vmem>>
    %dma_wait3A_117 = arith.constant 1536 : i32
    %dma_wait3A_118 = tpu.memref_slice %arg8[%dma_wait3A_117] : memref<2048xi32, #tpu.memory_space<vmem>> -> memref<512xi32, #tpu.memory_space<vmem>>
    %dma_wait3A_119 = arith.constant 0 : i32
    %dma_wait3A_120 = arith.constant 0 : i32
    %dma_wait3A_121 = tpu.memref_slice %arg6[%dma_wait3A_119, %dma_wait3A_120] : memref<100352x32xf32, #tpu.memory_space<hbm>> -> memref<100352x32xf32, #tpu.memory_space<hbm>>
    tpu.wait_indirect_dma semaphore(%arg10 : memref<!tpu.dma_semaphore, #tpu.memory_space<semaphore_mem>>) src(%dma_wait3A_121 : memref<100352x32xf32, #tpu.memory_space<hbm>>) dst(%dma_wait3A_116 : memref<512x32xf32, #tpu.memory_space<vmem>>)
    %dma_start3A_122 = arith.constant 3 : i32
    %dma_start3A_123 = arith.constant 0 : i32
    %dma_start3A_124 = arith.constant 0 : i32
    %dma_start3A_125 = tpu.memref_slice %arg9[%dma_start3A_122, %dma_start3A_123, %dma_start3A_124] : memref<4x512x32xf32, #tpu.memory_space<vmem>> -> memref<1x512x32xf32, #tpu.memory_space<vmem>>
    %dma_start3A_126 = tpu.memref_squeeze %dma_start3A_125 : memref<1x512x32xf32, #tpu.memory_space<vmem>> -> memref<512x32xf32, #tpu.memory_space<vmem>>
    %dma_start3A_127 = arith.constant 96 : i32
    %dma_start3A_128 = tpu.memref_slice %arg7[%mul3A_2, %dma_start3A_127] : memref<16384x128xf32, #tpu.memory_space<hbm>> -> memref<512x32xf32, #tpu.memory_space<hbm>>
    %dma_start3A_129 = arith.constant 96 : i32
    %dma_start3A_130 = tpu.memref_slice %arg7[%mul3A_2, %dma_start3A_129] : memref<16384x128xf32, #tpu.memory_space<hbm>> -> memref<512x32xf32, #tpu.memory_space<hbm>>
    %dma_start3A_131 = arith.constant 0 : i32
    %dma_start3A_132 = arith.constant 0 : i32
    %dma_start3A_133 = tpu.memref_slice %arg9[%dma_start3A_122, %dma_start3A_131, %dma_start3A_132] : memref<4x512x32xf32, #tpu.memory_space<vmem>> -> memref<1x512x32xf32, #tpu.memory_space<vmem>>
    %dma_start3A_134 = tpu.memref_squeeze %dma_start3A_133 : memref<1x512x32xf32, #tpu.memory_space<vmem>> -> memref<512x32xf32, #tpu.memory_space<vmem>>
    tpu.enqueue_dma source(%dma_start3A_134 : memref<512x32xf32, #tpu.memory_space<vmem>>) target(%dma_start3A_130 : memref<512x32xf32, #tpu.memory_space<hbm>>) target_semaphore(%arg11 : memref<!tpu.dma_semaphore, #tpu.memory_space<semaphore_mem>>)
    %dma_wait3A_135 = arith.constant 0 : i32
    %dma_wait3A_136 = arith.constant 0 : i32
    %dma_wait3A_137 = arith.constant 0 : i32
    %dma_wait3A_138 = tpu.memref_slice %arg9[%dma_wait3A_135, %dma_wait3A_136, %dma_wait3A_137] : memref<4x512x32xf32, #tpu.memory_space<vmem>> -> memref<1x512x32xf32, #tpu.memory_space<vmem>>
    %dma_wait3A_139 = tpu.memref_squeeze %dma_wait3A_138 : memref<1x512x32xf32, #tpu.memory_space<vmem>> -> memref<512x32xf32, #tpu.memory_space<vmem>>
    %dma_wait3A_140 = arith.constant 0 : i32
    %dma_wait3A_141 = tpu.memref_slice %arg7[%mul3A_2, %dma_wait3A_140] : memref<16384x128xf32, #tpu.memory_space<hbm>> -> memref<512x32xf32, #tpu.memory_space<hbm>>
    %dma_wait3A_142 = arith.constant 0 : i32
    %dma_wait3A_143 = tpu.memref_slice %arg7[%mul3A_2, %dma_wait3A_142] : memref<16384x128xf32, #tpu.memory_space<hbm>> -> memref<512x32xf32, #tpu.memory_space<hbm>>
    %dma_wait3A_144 = arith.constant 0 : i32
    %dma_wait3A_145 = arith.constant 0 : i32
    %dma_wait3A_146 = tpu.memref_slice %arg9[%dma_wait3A_135, %dma_wait3A_144, %dma_wait3A_145] : memref<4x512x32xf32, #tpu.memory_space<vmem>> -> memref<1x512x32xf32, #tpu.memory_space<vmem>>
    %dma_wait3A_147 = tpu.memref_squeeze %dma_wait3A_146 : memref<1x512x32xf32, #tpu.memory_space<vmem>> -> memref<512x32xf32, #tpu.memory_space<vmem>>
    tpu.wait_dma2 semaphore(%arg11 : memref<!tpu.dma_semaphore, #tpu.memory_space<semaphore_mem>>) src(%dma_wait3A_147 : memref<512x32xf32, #tpu.memory_space<vmem>>) dst(%dma_wait3A_143 : memref<512x32xf32, #tpu.memory_space<hbm>>)
    %dma_wait3A_148 = arith.constant 1 : i32
    %dma_wait3A_149 = arith.constant 0 : i32
    %dma_wait3A_150 = arith.constant 0 : i32
    %dma_wait3A_151 = tpu.memref_slice %arg9[%dma_wait3A_148, %dma_wait3A_149, %dma_wait3A_150] : memref<4x512x32xf32, #tpu.memory_space<vmem>> -> memref<1x512x32xf32, #tpu.memory_space<vmem>>
    %dma_wait3A_152 = tpu.memref_squeeze %dma_wait3A_151 : memref<1x512x32xf32, #tpu.memory_space<vmem>> -> memref<512x32xf32, #tpu.memory_space<vmem>>
    %dma_wait3A_153 = arith.constant 32 : i32
    %dma_wait3A_154 = tpu.memref_slice %arg7[%mul3A_2, %dma_wait3A_153] : memref<16384x128xf32, #tpu.memory_space<hbm>> -> memref<512x32xf32, #tpu.memory_space<hbm>>
    %dma_wait3A_155 = arith.constant 32 : i32
    %dma_wait3A_156 = tpu.memref_slice %arg7[%mul3A_2, %dma_wait3A_155] : memref<16384x128xf32, #tpu.memory_space<hbm>> -> memref<512x32xf32, #tpu.memory_space<hbm>>
    %dma_wait3A_157 = arith.constant 0 : i32
    %dma_wait3A_158 = arith.constant 0 : i32
    %dma_wait3A_159 = tpu.memref_slice %arg9[%dma_wait3A_148, %dma_wait3A_157, %dma_wait3A_158] : memref<4x512x32xf32, #tpu.memory_space<vmem>> -> memref<1x512x32xf32, #tpu.memory_space<vmem>>
    %dma_wait3A_160 = tpu.memref_squeeze %dma_wait3A_159 : memref<1x512x32xf32, #tpu.memory_space<vmem>> -> memref<512x32xf32, #tpu.memory_space<vmem>>
    tpu.wait_dma2 semaphore(%arg11 : memref<!tpu.dma_semaphore, #tpu.memory_space<semaphore_mem>>) src(%dma_wait3A_160 : memref<512x32xf32, #tpu.memory_space<vmem>>) dst(%dma_wait3A_156 : memref<512x32xf32, #tpu.memory_space<hbm>>)
    %dma_wait3A_161 = arith.constant 2 : i32
    %dma_wait3A_162 = arith.constant 0 : i32
    %dma_wait3A_163 = arith.constant 0 : i32
    %dma_wait3A_164 = tpu.memref_slice %arg9[%dma_wait3A_161, %dma_wait3A_162, %dma_wait3A_163] : memref<4x512x32xf32, #tpu.memory_space<vmem>> -> memref<1x512x32xf32, #tpu.memory_space<vmem>>
    %dma_wait3A_165 = tpu.memref_squeeze %dma_wait3A_164 : memref<1x512x32xf32, #tpu.memory_space<vmem>> -> memref<512x32xf32, #tpu.memory_space<vmem>>
    %dma_wait3A_166 = arith.constant 64 : i32
    %dma_wait3A_167 = tpu.memref_slice %arg7[%mul3A_2, %dma_wait3A_166] : memref<16384x128xf32, #tpu.memory_space<hbm>> -> memref<512x32xf32, #tpu.memory_space<hbm>>
    %dma_wait3A_168 = arith.constant 64 : i32
    %dma_wait3A_169 = tpu.memref_slice %arg7[%mul3A_2, %dma_wait3A_168] : memref<16384x128xf32, #tpu.memory_space<hbm>> -> memref<512x32xf32, #tpu.memory_space<hbm>>
    %dma_wait3A_170 = arith.constant 0 : i32
    %dma_wait3A_171 = arith.constant 0 : i32
    %dma_wait3A_172 = tpu.memref_slice %arg9[%dma_wait3A_161, %dma_wait3A_170, %dma_wait3A_171] : memref<4x512x32xf32, #tpu.memory_space<vmem>> -> memref<1x512x32xf32, #tpu.memory_space<vmem>>
    %dma_wait3A_173 = tpu.memref_squeeze %dma_wait3A_172 : memref<1x512x32xf32, #tpu.memory_space<vmem>> -> memref<512x32xf32, #tpu.memory_space<vmem>>
    tpu.wait_dma2 semaphore(%arg11 : memref<!tpu.dma_semaphore, #tpu.memory_space<semaphore_mem>>) src(%dma_wait3A_173 : memref<512x32xf32, #tpu.memory_space<vmem>>) dst(%dma_wait3A_169 : memref<512x32xf32, #tpu.memory_space<hbm>>)
    %dma_wait3A_174 = arith.constant 3 : i32
    %dma_wait3A_175 = arith.constant 0 : i32
    %dma_wait3A_176 = arith.constant 0 : i32
    %dma_wait3A_177 = tpu.memref_slice %arg9[%dma_wait3A_174, %dma_wait3A_175, %dma_wait3A_176] : memref<4x512x32xf32, #tpu.memory_space<vmem>> -> memref<1x512x32xf32, #tpu.memory_space<vmem>>
    %dma_wait3A_178 = tpu.memref_squeeze %dma_wait3A_177 : memref<1x512x32xf32, #tpu.memory_space<vmem>> -> memref<512x32xf32, #tpu.memory_space<vmem>>
    %dma_wait3A_179 = arith.constant 96 : i32
    %dma_wait3A_180 = tpu.memref_slice %arg7[%mul3A_2, %dma_wait3A_179] : memref<16384x128xf32, #tpu.memory_space<hbm>> -> memref<512x32xf32, #tpu.memory_space<hbm>>
    %dma_wait3A_181 = arith.constant 96 : i32
    %dma_wait3A_182 = tpu.memref_slice %arg7[%mul3A_2, %dma_wait3A_181] : memref<16384x128xf32, #tpu.memory_space<hbm>> -> memref<512x32xf32, #tpu.memory_space<hbm>>
    %dma_wait3A_183 = arith.constant 0 : i32
    %dma_wait3A_184 = arith.constant 0 : i32
    %dma_wait3A_185 = tpu.memref_slice %arg9[%dma_wait3A_174, %dma_wait3A_183, %dma_wait3A_184] : memref<4x512x32xf32, #tpu.memory_space<vmem>> -> memref<1x512x32xf32, #tpu.memory_space<vmem>>
    %dma_wait3A_186 = tpu.memref_squeeze %dma_wait3A_185 : memref<1x512x32xf32, #tpu.memory_space<vmem>> -> memref<512x32xf32, #tpu.memory_space<vmem>>
    tpu.wait_dma2 semaphore(%arg11 : memref<!tpu.dma_semaphore, #tpu.memory_space<semaphore_mem>>) src(%dma_wait3A_186 : memref<512x32xf32, #tpu.memory_space<vmem>>) dst(%dma_wait3A_182 : memref<512x32xf32, #tpu.memory_space<hbm>>)
    return
  }
}

module attributes {stable_mosaic.version = 14 : i64} {
  func.func @_tr_body(%arg0: i32, %arg1: memref<32x3584xf32, #tpu.memory_space<vmem>>, %arg2: memref<32x3584xf32, #tpu.memory_space<vmem>>, %arg3: memref<32x3584xf32, #tpu.memory_space<vmem>>, %arg4: memref<32x3584xf32, #tpu.memory_space<vmem>>, %arg5: memref<32x3584xf32, #tpu.memory_space<vmem>>, %arg6: memref<32x3584xf32, #tpu.memory_space<vmem>>, %arg7: memref<32x3584xf32, #tpu.memory_space<vmem>>, %arg8: memref<32x3584xf32, #tpu.memory_space<vmem>>, %arg9: memref<32x3584xf32, #tpu.memory_space<vmem>>, %arg10: memref<32x3584xf32, #tpu.memory_space<vmem>>, %arg11: memref<32x3584xf32, #tpu.memory_space<vmem>>, %arg12: memref<32x3584xf32, #tpu.memory_space<vmem>>, %arg13: memref<32x3584xf32, #tpu.memory_space<vmem>>, %arg14: memref<32x3584xf32, #tpu.memory_space<vmem>>, %arg15: memref<32x3584xf32, #tpu.memory_space<vmem>>, %arg16: memref<32x3584xf32, #tpu.memory_space<vmem>>, %arg17: memref<3584x128xf32, #tpu.memory_space<vmem>>, %arg18: memref<3584x128xf32, #tpu.memory_space<vmem>>, %arg19: memref<3584x128xf32, #tpu.memory_space<vmem>>, %arg20: memref<3584x128xf32, #tpu.memory_space<vmem>>) attributes {dimension_semantics = [#tpu.dimension_semantics<arbitrary>], iteration_bounds = array<i64: 7>, scalar_prefetch = 0 : i64, scratch_operands = 0 : i64, tpu.core_type = #tpu.core_type<tc>, window_params = [{transform_indices = @transform_0, window_bounds = array<i64: 32, 3584>}, {transform_indices = @transform_1, window_bounds = array<i64: 32, 3584>}, {transform_indices = @transform_2, window_bounds = array<i64: 32, 3584>}, {transform_indices = @transform_3, window_bounds = array<i64: 32, 3584>}, {transform_indices = @transform_4, window_bounds = array<i64: 32, 3584>}, {transform_indices = @transform_5, window_bounds = array<i64: 32, 3584>}, {transform_indices = @transform_6, window_bounds = array<i64: 32, 3584>}, {transform_indices = @transform_7, window_bounds = array<i64: 32, 3584>}, {transform_indices = @transform_8, window_bounds = array<i64: 32, 3584>}, {transform_indices = @transform_9, window_bounds = array<i64: 32, 3584>}, {transform_indices = @transform_10, window_bounds = array<i64: 32, 3584>}, {transform_indices = @transform_11, window_bounds = array<i64: 32, 3584>}, {transform_indices = @transform_12, window_bounds = array<i64: 32, 3584>}, {transform_indices = @transform_13, window_bounds = array<i64: 32, 3584>}, {transform_indices = @transform_14, window_bounds = array<i64: 32, 3584>}, {transform_indices = @transform_15, window_bounds = array<i64: 32, 3584>}, {transform_indices = @transform_16, window_bounds = array<i64: 3584, 128>}, {transform_indices = @transform_17, window_bounds = array<i64: 3584, 128>}, {transform_indices = @transform_18, window_bounds = array<i64: 3584, 128>}, {transform_indices = @transform_19, window_bounds = array<i64: 3584, 128>}]} {
    %get3A = arith.constant 0 : index
    %get3A_0 = arith.constant 0 : index
    %get3A_1 = vector.load %arg1[%get3A, %get3A_0] : memref<32x3584xf32, #tpu.memory_space<vmem>>, vector<32x3584xf32>
    %get3A_2 = arith.constant 0 : index
    %get3A_3 = arith.constant 0 : index
    %get3A_4 = vector.load %arg2[%get3A_2, %get3A_3] : memref<32x3584xf32, #tpu.memory_space<vmem>>, vector<32x3584xf32>
    %get3A_5 = arith.constant 0 : index
    %get3A_6 = arith.constant 0 : index
    %get3A_7 = vector.load %arg3[%get3A_5, %get3A_6] : memref<32x3584xf32, #tpu.memory_space<vmem>>, vector<32x3584xf32>
    %get3A_8 = arith.constant 0 : index
    %get3A_9 = arith.constant 0 : index
    %get3A_10 = vector.load %arg4[%get3A_8, %get3A_9] : memref<32x3584xf32, #tpu.memory_space<vmem>>, vector<32x3584xf32>
    %concatenate3A = tpu.concatenate %get3A_1, %get3A_4, %get3A_7, %get3A_10 in 0 : vector<32x3584xf32>, vector<32x3584xf32>, vector<32x3584xf32>, vector<32x3584xf32> -> vector<128x3584xf32>
    %transpose3A = tpu.transpose %concatenate3A, [1, 0] : vector<128x3584xf32> -> vector<3584x128xf32>
    %swap3A = arith.constant 0 : index
    %swap3A_11 = arith.constant 0 : index
    %swap3A_12 = vector.load %arg17[%swap3A, %swap3A_11] : memref<3584x128xf32, #tpu.memory_space<vmem>>, vector<3584x128xf32>
    tpu.vector_store %arg17[%swap3A, %swap3A_11], %transpose3A {strides = array<i32>} : memref<3584x128xf32, #tpu.memory_space<vmem>>, vector<3584x128xf32>,
    %get3A_13 = arith.constant 0 : index
    %get3A_14 = arith.constant 0 : index
    %get3A_15 = vector.load %arg5[%get3A_13, %get3A_14] : memref<32x3584xf32, #tpu.memory_space<vmem>>, vector<32x3584xf32>
    %get3A_16 = arith.constant 0 : index
    %get3A_17 = arith.constant 0 : index
    %get3A_18 = vector.load %arg6[%get3A_16, %get3A_17] : memref<32x3584xf32, #tpu.memory_space<vmem>>, vector<32x3584xf32>
    %get3A_19 = arith.constant 0 : index
    %get3A_20 = arith.constant 0 : index
    %get3A_21 = vector.load %arg7[%get3A_19, %get3A_20] : memref<32x3584xf32, #tpu.memory_space<vmem>>, vector<32x3584xf32>
    %get3A_22 = arith.constant 0 : index
    %get3A_23 = arith.constant 0 : index
    %get3A_24 = vector.load %arg8[%get3A_22, %get3A_23] : memref<32x3584xf32, #tpu.memory_space<vmem>>, vector<32x3584xf32>
    %concatenate3A_25 = tpu.concatenate %get3A_15, %get3A_18, %get3A_21, %get3A_24 in 0 : vector<32x3584xf32>, vector<32x3584xf32>, vector<32x3584xf32>, vector<32x3584xf32> -> vector<128x3584xf32>
    %transpose3A_26 = tpu.transpose %concatenate3A_25, [1, 0] : vector<128x3584xf32> -> vector<3584x128xf32>
    %swap3A_27 = arith.constant 0 : index
    %swap3A_28 = arith.constant 0 : index
    %swap3A_29 = vector.load %arg18[%swap3A_27, %swap3A_28] : memref<3584x128xf32, #tpu.memory_space<vmem>>, vector<3584x128xf32>
    tpu.vector_store %arg18[%swap3A_27, %swap3A_28], %transpose3A_26 {strides = array<i32>} : memref<3584x128xf32, #tpu.memory_space<vmem>>, vector<3584x128xf32>,
    %get3A_30 = arith.constant 0 : index
    %get3A_31 = arith.constant 0 : index
    %get3A_32 = vector.load %arg9[%get3A_30, %get3A_31] : memref<32x3584xf32, #tpu.memory_space<vmem>>, vector<32x3584xf32>
    %get3A_33 = arith.constant 0 : index
    %get3A_34 = arith.constant 0 : index
    %get3A_35 = vector.load %arg10[%get3A_33, %get3A_34] : memref<32x3584xf32, #tpu.memory_space<vmem>>, vector<32x3584xf32>
    %get3A_36 = arith.constant 0 : index
    %get3A_37 = arith.constant 0 : index
    %get3A_38 = vector.load %arg11[%get3A_36, %get3A_37] : memref<32x3584xf32, #tpu.memory_space<vmem>>, vector<32x3584xf32>
    %get3A_39 = arith.constant 0 : index
    %get3A_40 = arith.constant 0 : index
    %get3A_41 = vector.load %arg12[%get3A_39, %get3A_40] : memref<32x3584xf32, #tpu.memory_space<vmem>>, vector<32x3584xf32>
    %concatenate3A_42 = tpu.concatenate %get3A_32, %get3A_35, %get3A_38, %get3A_41 in 0 : vector<32x3584xf32>, vector<32x3584xf32>, vector<32x3584xf32>, vector<32x3584xf32> -> vector<128x3584xf32>
    %transpose3A_43 = tpu.transpose %concatenate3A_42, [1, 0] : vector<128x3584xf32> -> vector<3584x128xf32>
    %swap3A_44 = arith.constant 0 : index
    %swap3A_45 = arith.constant 0 : index
    %swap3A_46 = vector.load %arg19[%swap3A_44, %swap3A_45] : memref<3584x128xf32, #tpu.memory_space<vmem>>, vector<3584x128xf32>
    tpu.vector_store %arg19[%swap3A_44, %swap3A_45], %transpose3A_43 {strides = array<i32>} : memref<3584x128xf32, #tpu.memory_space<vmem>>, vector<3584x128xf32>,
    %get3A_47 = arith.constant 0 : index
    %get3A_48 = arith.constant 0 : index
    %get3A_49 = vector.load %arg13[%get3A_47, %get3A_48] : memref<32x3584xf32, #tpu.memory_space<vmem>>, vector<32x3584xf32>
    %get3A_50 = arith.constant 0 : index
    %get3A_51 = arith.constant 0 : index
    %get3A_52 = vector.load %arg14[%get3A_50, %get3A_51] : memref<32x3584xf32, #tpu.memory_space<vmem>>, vector<32x3584xf32>
    %get3A_53 = arith.constant 0 : index
    %get3A_54 = arith.constant 0 : index
    %get3A_55 = vector.load %arg15[%get3A_53, %get3A_54] : memref<32x3584xf32, #tpu.memory_space<vmem>>, vector<32x3584xf32>
    %get3A_56 = arith.constant 0 : index
    %get3A_57 = arith.constant 0 : index
    %get3A_58 = vector.load %arg16[%get3A_56, %get3A_57] : memref<32x3584xf32, #tpu.memory_space<vmem>>, vector<32x3584xf32>
    %concatenate3A_59 = tpu.concatenate %get3A_49, %get3A_52, %get3A_55, %get3A_58 in 0 : vector<32x3584xf32>, vector<32x3584xf32>, vector<32x3584xf32>, vector<32x3584xf32> -> vector<128x3584xf32>
    %transpose3A_60 = tpu.transpose %concatenate3A_59, [1, 0] : vector<128x3584xf32> -> vector<3584x128xf32>
    %swap3A_61 = arith.constant 0 : index
    %swap3A_62 = arith.constant 0 : index
    %swap3A_63 = vector.load %arg20[%swap3A_61, %swap3A_62] : memref<3584x128xf32, #tpu.memory_space<vmem>>, vector<3584x128xf32>
    tpu.vector_store %arg20[%swap3A_61, %swap3A_62], %transpose3A_60 {strides = array<i32>} : memref<3584x128xf32, #tpu.memory_space<vmem>>, vector<3584x128xf32>,
    return
  }
  func.func @transform_0(%arg0: i32) -> (i32, i32) {
    %add3A = arith.constant 0 : i32
    %add3A_0 = arith.addi %add3A, %arg0 : i32
    %min3A = arith.constant 27 : i32
    %min3A_1 = arith.minsi %add3A_0, %min3A : i32
    %c0_i32 = arith.constant 0 : i32
    %c0_i32_2 = arith.constant 0 : i32
    return %c0_i32, %min3A_1 : i32, i32
  }
  func.func @transform_1(%arg0: i32) -> (i32, i32) {
    %add3A = arith.constant 7 : i32
    %add3A_0 = arith.addi %add3A, %arg0 : i32
    %min3A = arith.constant 27 : i32
    %min3A_1 = arith.minsi %add3A_0, %min3A : i32
    %c0_i32 = arith.constant 0 : i32
    %c0_i32_2 = arith.constant 0 : i32
    return %c0_i32, %min3A_1 : i32, i32
  }
  func.func @transform_2(%arg0: i32) -> (i32, i32) {
    %add3A = arith.constant 14 : i32
    %add3A_0 = arith.addi %add3A, %arg0 : i32
    %min3A = arith.constant 27 : i32
    %min3A_1 = arith.minsi %add3A_0, %min3A : i32
    %c0_i32 = arith.constant 0 : i32
    %c0_i32_2 = arith.constant 0 : i32
    return %c0_i32, %min3A_1 : i32, i32
  }
  func.func @transform_3(%arg0: i32) -> (i32, i32) {
    %add3A = arith.constant 21 : i32
    %add3A_0 = arith.addi %add3A, %arg0 : i32
    %min3A = arith.constant 27 : i32
    %min3A_1 = arith.minsi %add3A_0, %min3A : i32
    %c0_i32 = arith.constant 0 : i32
    %c0_i32_2 = arith.constant 0 : i32
    return %c0_i32, %min3A_1 : i32, i32
  }
  func.func @transform_4(%arg0: i32) -> (i32, i32) {
    %add3A = arith.constant 0 : i32
    %add3A_0 = arith.addi %add3A, %arg0 : i32
    %min3A = arith.constant 27 : i32
    %min3A_1 = arith.minsi %add3A_0, %min3A : i32
    %c0_i32 = arith.constant 0 : i32
    %c0_i32_2 = arith.constant 0 : i32
    return %c0_i32, %min3A_1 : i32, i32
  }
  func.func @transform_5(%arg0: i32) -> (i32, i32) {
    %add3A = arith.constant 7 : i32
    %add3A_0 = arith.addi %add3A, %arg0 : i32
    %min3A = arith.constant 27 : i32
    %min3A_1 = arith.minsi %add3A_0, %min3A : i32
    %c0_i32 = arith.constant 0 : i32
    %c0_i32_2 = arith.constant 0 : i32
    return %c0_i32, %min3A_1 : i32, i32
  }
  func.func @transform_6(%arg0: i32) -> (i32, i32) {
    %add3A = arith.constant 14 : i32
    %add3A_0 = arith.addi %add3A, %arg0 : i32
    %min3A = arith.constant 27 : i32
    %min3A_1 = arith.minsi %add3A_0, %min3A : i32
    %c0_i32 = arith.constant 0 : i32
    %c0_i32_2 = arith.constant 0 : i32
    return %c0_i32, %min3A_1 : i32, i32
  }
  func.func @transform_7(%arg0: i32) -> (i32, i32) {
    %add3A = arith.constant 21 : i32
    %add3A_0 = arith.addi %add3A, %arg0 : i32
    %min3A = arith.constant 27 : i32
    %min3A_1 = arith.minsi %add3A_0, %min3A : i32
    %c0_i32 = arith.constant 0 : i32
    %c0_i32_2 = arith.constant 0 : i32
    return %c0_i32, %min3A_1 : i32, i32
  }
  func.func @transform_8(%arg0: i32) -> (i32, i32) {
    %add3A = arith.constant 0 : i32
    %add3A_0 = arith.addi %add3A, %arg0 : i32
    %min3A = arith.constant 27 : i32
    %min3A_1 = arith.minsi %add3A_0, %min3A : i32
    %c0_i32 = arith.constant 0 : i32
    %c0_i32_2 = arith.constant 0 : i32
    return %c0_i32, %min3A_1 : i32, i32
  }
  func.func @transform_9(%arg0: i32) -> (i32, i32) {
    %add3A = arith.constant 7 : i32
    %add3A_0 = arith.addi %add3A, %arg0 : i32
    %min3A = arith.constant 27 : i32
    %min3A_1 = arith.minsi %add3A_0, %min3A : i32
    %c0_i32 = arith.constant 0 : i32
    %c0_i32_2 = arith.constant 0 : i32
    return %c0_i32, %min3A_1 : i32, i32
  }
  func.func @transform_10(%arg0: i32) -> (i32, i32) {
    %add3A = arith.constant 14 : i32
    %add3A_0 = arith.addi %add3A, %arg0 : i32
    %min3A = arith.constant 27 : i32
    %min3A_1 = arith.minsi %add3A_0, %min3A : i32
    %c0_i32 = arith.constant 0 : i32
    %c0_i32_2 = arith.constant 0 : i32
    return %c0_i32, %min3A_1 : i32, i32
  }
  func.func @transform_11(%arg0: i32) -> (i32, i32) {
    %add3A = arith.constant 21 : i32
    %add3A_0 = arith.addi %add3A, %arg0 : i32
    %min3A = arith.constant 27 : i32
    %min3A_1 = arith.minsi %add3A_0, %min3A : i32
    %c0_i32 = arith.constant 0 : i32
    %c0_i32_2 = arith.constant 0 : i32
    return %c0_i32, %min3A_1 : i32, i32
  }
  func.func @transform_12(%arg0: i32) -> (i32, i32) {
    %add3A = arith.constant 0 : i32
    %add3A_0 = arith.addi %add3A, %arg0 : i32
    %min3A = arith.constant 27 : i32
    %min3A_1 = arith.minsi %add3A_0, %min3A : i32
    %c0_i32 = arith.constant 0 : i32
    %c0_i32_2 = arith.constant 0 : i32
    return %c0_i32, %min3A_1 : i32, i32
  }
  func.func @transform_13(%arg0: i32) -> (i32, i32) {
    %add3A = arith.constant 7 : i32
    %add3A_0 = arith.addi %add3A, %arg0 : i32
    %min3A = arith.constant 27 : i32
    %min3A_1 = arith.minsi %add3A_0, %min3A : i32
    %c0_i32 = arith.constant 0 : i32
    %c0_i32_2 = arith.constant 0 : i32
    return %c0_i32, %min3A_1 : i32, i32
  }
  func.func @transform_14(%arg0: i32) -> (i32, i32) {
    %add3A = arith.constant 14 : i32
    %add3A_0 = arith.addi %add3A, %arg0 : i32
    %min3A = arith.constant 27 : i32
    %min3A_1 = arith.minsi %add3A_0, %min3A : i32
    %c0_i32 = arith.constant 0 : i32
    %c0_i32_2 = arith.constant 0 : i32
    return %c0_i32, %min3A_1 : i32, i32
  }
  func.func @transform_15(%arg0: i32) -> (i32, i32) {
    %add3A = arith.constant 21 : i32
    %add3A_0 = arith.addi %add3A, %arg0 : i32
    %min3A = arith.constant 27 : i32
    %min3A_1 = arith.minsi %add3A_0, %min3A : i32
    %c0_i32 = arith.constant 0 : i32
    %c0_i32_2 = arith.constant 0 : i32
    return %c0_i32, %min3A_1 : i32, i32
  }
  func.func @transform_16(%arg0: i32) -> (i32, i32) {
    %c0_i32 = arith.constant 0 : i32
    %c0_i32_0 = arith.constant 0 : i32
    return %arg0, %c0_i32 : i32, i32
  }
  func.func @transform_17(%arg0: i32) -> (i32, i32) {
    %c0_i32 = arith.constant 0 : i32
    %c0_i32_0 = arith.constant 0 : i32
    return %arg0, %c0_i32 : i32, i32
  }
  func.func @transform_18(%arg0: i32) -> (i32, i32) {
    %c0_i32 = arith.constant 0 : i32
    %c0_i32_0 = arith.constant 0 : i32
    return %arg0, %c0_i32 : i32, i32
  }
  func.func @transform_19(%arg0: i32) -> (i32, i32) {
    %c0_i32 = arith.constant 0 : i32
    %c0_i32_0 = arith.constant 0 : i32
    return %arg0, %c0_i32 : i32, i32
  }
}

</mosaic_0001>

<sc_bundles>
// kernel: kernel.4.cloned.1.call-start
scs
__scs_entry_jumppad:
0x0: {  	(pc) =	sbr.rel $0x88, $3  }
0x1: {  	(tag) =	ssettag $0x0;
	lr =	simm.s32 $0x1  }
0x2: {  	[smem:$0x3F9C] =	sst lr;
	_ =	strace $0xD0000000  }
0x3: {  	_ = 	snop  }
0x4: {  	_ = 	snop  }
0x5: {  	_ = 	snop  }
0x6: {  	_ = 	snop  }
0x7: {  	_ = 	snop  }
__scs_overlays_trampoline_lowered:
0x8: {  	[smem:$0x3FAB] =	sst s0  }
0x9: {  	[smem:$0x3FAC] =	sst s1  }
0xa: {  	[smem:$0x3FAD] =	sst s2  }
0xb: {  	[smem:$0x3FAE] =	sst s3  }
0xc: {  	[smem:$0x3FAF] =	sst s4  }
0xd: {  	[smem:$0x3FB0] =	sst s5  }
0xe: {  	[smem:$0x3FB1] =	sst s6  }
0xf: {  	[smem:$0x3FB2] =	sst s7  }
0x10: {  	[smem:$0x3FB3] =	sst s8  }
0x11: {  	[smem:$0x3FB4] =	sst s9;
	s0 =	simm.s32 @!p0 $0x0  }
0x12: {  	s1 =	sld [smem:$0x3F9A];
	s0 =	simm.s32 @p0 $0x1  }
0x13: {  	[smem:$0x3FB5] =	sst s0;
	s0 =	simm.s32 @!p1 $0x0  }
0x14: {  	s2 =	sld [smem:$0x3F99];
	s0 =	simm.s32 @p1 $0x1  }
0x15: {  	[smem:$0x3FB6] =	sst s0;
	s0 =	simm.s32 @!p2 $0x0  }
0x16: {  	s3 =	sld [smem:$0x3FDB];
	s0 =	simm.s32 @p2 $0x1  }
0x17: {  	s4 =	simm.s32 $0x1BF5;
	[smem:$0x3FB8] =	sst s0  }
0x18: {  	s0 =	sld [smem:$0x3F9B];
	_ =	swait.ge [sflag:s4], $0x0  }
0x19: {  	s7 =	sld [smem:$0x3F9C]  }
0x1a: {  	s8 =	sadd.s32 $0xFFFFE003, lr  }
0x1b: {  	s9 =	sadd.s32 $0xFFFFFEF7, lr;
	s5 =	simm.s32 $0xFFFFFFFF;
	p2 =	slt.u32 s8, $0xFFFFF086  }
0x1c: {  	p1 =	slt.u32 s9, $0xF7A;
	s5 =	simm.s32 @!p2 $0x0  }
0x1d: {  	s5 =	simm.s32 @p1 $0x1;
	p0 =	seq.s32 s7, s2  }
0x1e: {  	s7 =	smul.u32 @!p0 $0xF7A, s2;
	p2 =	seq.s32 @!p0 s5, $0x0  }
0x1f: {  	s9 =	smul.u32 $0xF7A, s1;
	s8 =	simm.s32 @!p0 $0x1BF5;
	p2 =	por !p2, p0  }
0x20: {  	[sflag:s8] =	ssyncset.s32 @!p0 $0xFFFFF086;
	s6 =	sadd.s32 @!p0 s3, s7;
	s7 =	simm.s32 @!p0 $0x108  }
0x21: {  	s3 =	sadd.s32 s3, s9;
	s6 =	sadd.s32 @!p0 $0x88, s6;
	s7 =	simm.s32 @p2 $0x1082  }
0x22: {  	[simem:s7], [sflag:s8] =	dma.local @!p0 [hbm:s6], $0xF7A  }
0x23: {  	s9 =	sor.u32 $0xD0000000, s2;
	s6 =	simm.s32 $0x108;
	_ =	swait.ge @!p0 [sflag:s8], $0x0  }
0x24: {  	s3 =	sadd.s32 $0x88, s3;
	s6 =	simm.s32 @!p1 $0x1082;
	[sflag:s4] =	ssyncset.s32 $0xFFFFF086  }
0x25: {  	[simem:s6], [sflag:s4] =	dma.local [hbm:s3], $0xF7A  }
0x26: {  	[smem:$0x3F9C] =	sst s1;
	(tag) =	ssettag s2;
	_ =	strace s9  }
0x27: {  	s1 =	sld [smem:$0x3FAC]  }
0x28: {  	s2 =	sld [smem:$0x3FAD]  }
0x29: {  	s4 =	sld [smem:$0x3FAF]  }
0x2a: {  	p0 =	seq.s32 s5, $0x0;
	s5 =	sld [smem:$0x3FB0]  }
0x2b: {  	s6 =	sld [smem:$0x3FB1]  }
0x2c: {  	s7 =	sld [smem:$0x3FB2]  }
0x2d: {  	s3 =	simm.s32 $0x108;
	s8 =	sld [smem:$0x3FB3]  }
0x2e: {  	s3 =	simm.s32 @!p0 $0x1082;
	s9 =	sld [smem:$0x3FB4]  }
0x2f: {  	lr =	sadd.s32 s0, s3;
	s0 =	sld [smem:$0x3FAB]  }
0x30: {  	s3 =	sld [smem:$0x3FAE]  }
0x31: {  	[smem:$0x3FB7] =	sst s10  }
0x32: {  	s10 =	sld [smem:$0x3FB5];
	_ =	sdelay $0x3  }
0x33: {  	p0 =	seq.s32 s10, $0x1;
	s10 =	sld [smem:$0x3FB7];
	_ =	sdelay $0x3  }
0x34: {  	[smem:$0x3FB7] =	sst s10  }
0x35: {  	s10 =	sld [smem:$0x3FB6];
	_ =	sdelay $0x3  }
0x36: {  	p1 =	seq.s32 s10, $0x1;
	s10 =	sld [smem:$0x3FB7];
	_ =	sdelay $0x3  }
0x37: {  	[smem:$0x3FB7] =	sst s10  }
0x38: {  	s10 =	sld [smem:$0x3FB8]  }
0x39: {  	_ = 	snop;
	(pc) =	sbr.ind lr, $3  }
0x3a: {  	_ = 	snop  }
0x3b: {  	_ = 	snop  }
0x3c: {  	p2 =	seq.s32 s10, $0x1;
	s10 =	sld [smem:$0x3FB7]  }
0x3d: {  	_ =	shalt  }
0x3e: {  	_ =	shalt  }
0x3f: {  	_ =	shalt  }
0x40: {  	_ =	shalt  }
0x41: {  	_ =	shalt  }
0x42: {  	_ =	shalt  }
0x43: {  	_ =	shalt  }
0x44: {  	_ =	shalt  }
0x45: {  	_ =	shalt  }
0x46: {  	_ =	shalt  }
0x47: {  	_ =	shalt  }
0x48: {  	_ =	shalt  }
0x49: {  	_ =	shalt  }
0x4a: {  	_ =	shalt  }
0x4b: {  	_ =	shalt  }
0x4c: {  	_ =	shalt  }
0x4d: {  	_ =	shalt  }
0x4e: {  	_ =	shalt  }
0x4f: {  	_ =	shalt  }
0x50: {  	_ =	shalt  }
0x51: {  	_ =	shalt  }
0x52: {  	_ =	shalt  }
0x53: {  	_ =	shalt  }
0x54: {  	_ =	shalt  }
0x55: {  	_ =	shalt  }
0x56: {  	_ =	shalt  }
0x57: {  	_ =	shalt  }
0x58: {  	_ =	shalt  }
0x59: {  	_ =	shalt  }
0x5a: {  	_ =	shalt  }
0x5b: {  	_ =	shalt  }
0x5c: {  	_ =	shalt  }
0x5d: {  	_ =	shalt  }
0x5e: {  	_ =	shalt  }
0x5f: {  	_ =	shalt  }
0x60: {  	_ =	shalt  }
0x61: {  	_ =	shalt  }
0x62: {  	_ =	shalt  }
0x63: {  	_ =	shalt  }
0x64: {  	_ =	shalt  }
0x65: {  	_ =	shalt  }
0x66: {  	_ =	shalt  }
0x67: {  	_ =	shalt  }
0x68: {  	_ =	shalt  }
0x69: {  	_ =	shalt  }
0x6a: {  	_ =	shalt  }
0x6b: {  	_ =	shalt  }
0x6c: {  	_ =	shalt  }
0x6d: {  	_ =	shalt  }
0x6e: {  	_ =	shalt  }
0x6f: {  	_ =	shalt  }
0x70: {  	_ =	shalt  }
0x71: {  	_ =	shalt  }
0x72: {  	_ =	shalt  }
0x73: {  	_ =	shalt  }
0x74: {  	_ =	shalt  }
0x75: {  	_ =	shalt  }
0x76: {  	_ =	shalt  }
0x77: {  	_ =	shalt  }
0x78: {  	_ =	shalt  }
0x79: {  	_ =	shalt  }
0x7a: {  	_ =	shalt  }
0x7b: {  	_ =	shalt  }
0x7c: {  	_ =	shalt  }
0x7d: {  	_ =	shalt  }
0x7e: {  	_ =	shalt  }
0x7f: {  	_ =	shalt  }
0x80: {  	_ =	shalt  }
0x81: {  	_ =	shalt  }
0x82: {  	_ =	shalt  }
0x83: {  	_ =	shalt  }
0x84: {  	_ =	shalt  }
0x85: {  	_ =	shalt  }
0x86: {  	_ =	shalt  }
0x87: {  	_ =	shalt  }
.Lfunc_end0:
.L_simem_size_0:
called_computation_lowered:
.L_overlay_start_0:
0x88: {  	s2 =	sld [smem:$0x3FD9]  }
0x89: {  	s3 =	sld [smem:$0x3FFE];
	_ =	sdelay $0x1  }
0x8a: {  	s1 =	srdreg.scid  }
0x8b: {  	s0 =	sand.u32 $0x1, s1  }
0x8c: {  	s17 =	sshll.u32 s0, $0xA;
	s2 =	sadd.s32 s3, s2  }
0x8d: {  	s2 =	sadd.s32 s2, s17  }
0x8e: {  	[smem:$0x3FC3] =	sst s2  }
0x8f: {  	_ = 	snop  }
0x90: {  	s2 =	sld [smem:$0x3FD0];
	(tm) =	ssettm $0x1  }
0x91: {  	s18 =	sld [smem:$0x3FFB];
	_ =	sdelay $0x3  }
0x92: {  	_ =	strace s18  }
0x93: {  	s3 =	sld [smem:$0x3FFC];
	_ =	sdelay $0x3  }
0x94: {  	_ =	strace s3  }
0x95: {  	s3 =	sld [smem:$0x3FFD];
	_ =	sdelay $0x3  }
0x96: {  	_ =	strace s3  }
0x97: {  	_ =	strace $0x8FFFFFFF  }
0x98: {  	s19 =	sld [smem:$0x3FDB];
	_ =	sdelay $0x1  }
0x99: {  	s4 =	simm.s32 $_scs_section_size  }
0x9a: {  	s5 =	simm.s32 $_size__tile_overlayer_lowered;
	s6 =	simm.s32 $_tile_overlayer_lowered  }
0x9b: {  	s22 =	simm.s32 $0x1BFF;
	s21 =	sshll.u32 s6, $0x1;
	s3 =	sadd.s32 s4, s19  }
0x9c: {  	s7 =	simm.s32 $0x0;
	s20 =	sshll.u32 s5, $0x1;
	s5 =	sadd.s32 s21, s3  }
0x9d: {  	[timem:s7], [sflag:s22] =	dma.local [hbm:s5], s20  }
0x9e: {  	_ =	swait.ge [sflag:s22], s20  }
0x9f: {  	s4 =	ssub.s32 $0x0, s20;
	[sflag:s22] =	ssyncset.done $0x0  }
0xa0: {  	[sflag:s22] =	ssyncadd.s32 s4;
	_ =	sdelay $0x1  }
0xa1: {  	s23 =	simm.s32 $0x1B8B  }
0xa2: {  	_ =	swait.ge [sflag:s23], $0x1  }
0xa3: {  	[sflag:s23] =	ssyncset.done $0x0  }
0xa4: {  	s25 =	simm.s32 $0x1B8E;
	s24 =	sld [smem:$0x3FFE];
	[sflag:s23] =	ssyncadd.s32 $0xFFFFFFFF  }
0xa5: {  	s26 =	simm.s32 $execute0_lowered;
	[smem:$0x3FD2] =	sst s25  }
0xa6: {  	s5 =	sshll.u32 s26, $0x1;
	_ =	strace $0x80000046;
	[dreg:$0x1] =	wrdreg $0xFFFFFFFF  }
0xa7: {  	s28 =	simm.s32 $_size_execute0_lowered;
	s3 =	sadd.s32 s3, s5;
	[dreg:$0x0] =	wrdreg $0x0  }
0xa8: {  	s5 =	sshll.u32 s28, $0x1;
	[dreg:$0x2] =	wrdreg s3  }
0xa9: {  	[dreg:$0x3] =	wrdreg s5  }
0xaa: {  	[dreg:$0x4] =	wrdreg $0xC0  }
0xab: {  	_ =	task [dreg:s7], $0x5FFFF  }
0xac: {  	[dreg:$0x1] =	wrdreg $0xFFFFFFFF  }
0xad: {  	[dreg:$0x0] =	wrdreg $0x60  }
0xae: {  	[dreg:$0x2] =	wrdreg s24  }
0xaf: {  	[dreg:$0x3] =	wrdreg s2  }
0xb0: {  	[dreg:$0x4] =	wrdreg $0x9  }
0xb1: {  	_ =	task.clear_ibuf [dreg:s7], $0x5FFFF;
	_ =	strace $0x90000046  }
0xb2: {  	s29 =	simm.s32 $0x9;
	_ =	strace $0x80000048  }
0xb3: {  	_ =	swait.ge [sflag:s29], $0x1  }
0xb4: {  	[sflag:s29] =	ssyncadd.s32 $0xFFFFFFFF  }
0xb5: {  	_ =	strace $0x90000048  }
0xb6: {  	_ =	sfence  }
0xb7: {  	s30 =	sld [smem:$0x0];
	_ =	sdelay $0x2  }
0xb8: {  	s31 =	sshll.u32 s1, $0xD;
	s1 =	sshrl.u32 s1, $0x2  }
0xb9: {  	s3 =	sand.u32 $0x4000, s31;
	s1 =	sadd.s32 s1, s30  }
0xba: {  	s0 =	sor.u32 s3, s0;
	s1 =	sshll.u32 s1, $0x11  }
0xbb: {  	s0 =	sor.u32 s1, s0  }
0xbc: {  	s0 =	sadd.s32 $0x8F2B, s0  }
0xbd: {  	[sflag:s0] =	ssyncadd.remote.s32 $0x1  }
0xbe: {  	_ =	sfence.sel $0xFFFF  }
0xbf: {  	[dreg:$0x0] =	wrdreg $0xFFFFFFFF;
	(pc) =	sbr.abs _section_cstart, $3  }
0xc0: {  	[dreg:$0x1] =	wrdreg $0xFFFFFFFF  }
0xc1: {  	_ =	task.clear_ibuf [dreg:s7], $0x2FFFF;
	_ =	strace $0x9FFFFFFF  }
0xc2: {  	(tm) =	ssettm $0x7FFFFFFF  }
0xc3: {  	_ =	shalt  }
tec
execute0_lowered:
.L_overlay_start_1:
0x0: {  	(tag) =	ssettag $0x1  }
0x1: {  	s1 =	srdreg.scid;
	s0 =	stileid.u32  }
0x2: {  	s24 =	sand.u32 $0x1, s1;
	s31 =	sshll.u32 s0, $0x1  }
0x3: {  	s11 =	rddreg [dreg:$0x0];
	s18 =	sor.u32 s24, s31  }
0x4: {  	s17 =	rddreg [dreg:$0x1];
	s2 =	simm.s32 $0x0;
	s3 =	sshll.u32 s18, $0x8  }
0x5: {  	s4 =	simm.s32 $0x3;
	[smem:$0x7FF] =	sst s2;
	s3 =	sadd.s32 s3, s11  }
0x6: {  	s1 =	rddreg [dreg:$0x2];
	_ =	strace $0x80000047;
	s3 =	sadd.s32 $0x800, s3  }
0x7: {  	[tilespmem:s2], [sflag:$0x3] =	stream.linear.gather [hbm4b:s3+s2], $0x800, $0x38;
	[tilespmem:$0x10800] =	vst v63  }
0x8: {  	_ =	swait.ge [sflag:s4], $0x800  }
0x9: {  	s6 =	simm.s32 $0x200;
	[sflag:s4] =	ssyncset.done $0x0  }
0xa: {  	s7 =	simm.s32 $0x800;
	s5 =	sadd.s32 $0x2800, s11;
	[sflag:s4] =	ssyncadd.s32 $0xFFFFF800  }
0xb: {  	[tilespmem:s7], [sflag:$0x1] =	stream.indirect.gather [hbm4b:s5+s6], $0x20, s2, s6, $0xb8;
	[tilespmem:$0x10800] =	vst v63  }
0xc: {  	s10 =	simm.s32 $0x4800;
	s12 =	simm.s32 $0x400;
	s8 =	sadd.s32 $0x64800, s11  }
0xd: {  	[tilespmem:s10], [sflag:$0x1] =	stream.indirect.gather [hbm4b:s8+s6], $0x20, s6, s6, $0xb8;
	[tilespmem:$0x10800] =	vst v63  }
0xe: {  	s13 =	simm.s32 $0x8800;
	s14 =	simm.s32 $0x600;
	s9 =	sadd.s32 $0xC6800, s11  }
0xf: {  	[tilespmem:s13], [sflag:$0x1] =	stream.indirect.gather [hbm4b:s9+s6], $0x20, s12, s6, $0xb8;
	[tilespmem:$0x10800] =	vst v63  }
0x10: {  	s15 =	simm.s32 $0xC800;
	s16 =	simm.s32 $0x1;
	s11 =	sadd.s32 $0x128800, s11  }
0x11: {  	[tilespmem:s15], [sflag:$0x1] =	stream.indirect.gather [hbm4b:s11+s6], $0x20, s14, s6, $0xb8;
	[tilespmem:$0x10800] =	vst v63  }
0x12: {  	_ =	swait.ge [sflag:s16], $0x4000  }
0x13: {  	s19 =	simm.s32 $0x80;
	s18 =	sshll.u32 s18, $0xD;
	[sflag:s16] =	ssyncset.done $0x0  }
0x14: {  	s17 =	sadd.s32 s17, s18;
	s18 =	simm.s32 $0x20;
	[sflag:s16] =	ssyncadd.s32 $0xFFFFC000  }
0x15: {  	[hbm4b:s17+s18] =	stream.strided.scatter [tilespmem:s7], [sflag:$0x2], $0x4000, s19, s18, $0x38;
	[tilespmem:$0x10800] =	vst v63  }
0x16: {  	_ =	swait.ge [sflag:s16], $0x4000  }
0x17: {  	[sflag:s16] =	ssyncset.done $0x0  }
0x18: {  	s20 =	sadd.s32 $0x4, s17;
	[sflag:s16] =	ssyncadd.s32 $0xFFFFC000  }
0x19: {  	[hbm4b:s20+s18] =	stream.strided.scatter [tilespmem:s10], [sflag:$0x2], $0x4000, s19, s18, $0x38;
	[tilespmem:$0x10800] =	vst v63  }
0x1a: {  	_ =	swait.ge [sflag:s16], $0x4000  }
0x1b: {  	[sflag:s16] =	ssyncset.done $0x0  }
0x1c: {  	s21 =	sadd.s32 $0x8, s17;
	[sflag:s16] =	ssyncadd.s32 $0xFFFFC000  }
0x1d: {  	[hbm4b:s21+s18] =	stream.strided.scatter [tilespmem:s13], [sflag:$0x2], $0x4000, s19, s18, $0x38;
	[tilespmem:$0x10800] =	vst v63  }
0x1e: {  	_ =	swait.ge [sflag:s16], $0x4000  }
0x1f: {  	[sflag:s16] =	ssyncset.done $0x0  }
0x20: {  	s22 =	simm.s32 $0x2;
	s23 =	sadd.s32 $0xC, s17;
	[sflag:s16] =	ssyncadd.s32 $0xFFFFC000  }
0x21: {  	[hbm4b:s23+s18] =	stream.strided.scatter [tilespmem:s15], [sflag:$0x2], $0x4000, s19, s18, $0x38;
	[tilespmem:$0x10800] =	vst v63  }
0x22: {  	_ =	swait.ge [sflag:s22], $0x4000  }
0x23: {  	s24 =	ssub.s32 $0x2, s24;
	[sflag:s22] =	ssyncset.done $0x0  }
0x24: {  	s25 =	sshrl.u32 s24, $0x1;
	[sflag:s22] =	ssyncadd.s32 $0xFFFFC000  }
0x25: {  	s24 =	ssub.s32 s24, s25;
	_ =	swait.ge [sflag:s22], $0x4000  }
0x26: {  	s24 =	smax.u32 s24, $0x1;
	[sflag:s22] =	ssyncset.done $0x0  }
0x27: {  	p0 =	sne.s32 s24, $0x1;
	[sflag:s22] =	ssyncadd.s32 $0xFFFFC000  }
.Ltmp0:
0x28: {  	_ =	swait.ge [sflag:s22], $0x4000;
	(pc) =	sbr.rel @!p0 .LBB2_2-.Ltmp0, $4  }
0x29: {  	[sflag:s22] =	ssyncset.done $0x0  }
0x2a: {  	[sflag:s22] =	ssyncadd.s32 $0xFFFFC000  }
0x2b: {  	_ =	swait.ge [sflag:s22], $0x4000  }
0x2c: {  	s24 =	sadd.s32 $0xFFFFFFFF, s24;
	[sflag:s22] =	ssyncset.done $0x0  }
.LBB2_1:
0x2d: {  	p0 =	sne.s32 s24, $0x1;
	s24 =	sadd.s32 $0xFFFFFFFF, s24;
	[sflag:s22] =	ssyncadd.s32 $0xFFFFC000  }
0x2e: {  	[tilespmem:s2], [sflag:$0x3] =	stream.linear.gather [hbm4b:s3+s2], $0x800, $0x38;
	[tilespmem:$0x10800] =	vst v63  }
0x2f: {  	_ =	swait.ge [sflag:s4], $0x800  }
0x30: {  	[sflag:s4] =	ssyncset.done $0x0  }
0x31: {  	[sflag:s4] =	ssyncadd.s32 $0xFFFFF800  }
0x32: {  	[tilespmem:s7], [sflag:$0x1] =	stream.indirect.gather [hbm4b:s5+s6], $0x20, s2, s6, $0xb8;
	[tilespmem:$0x10800] =	vst v63  }
0x33: {  	_ = 	snop  }
0x34: {  	[tilespmem:s10], [sflag:$0x1] =	stream.indirect.gather [hbm4b:s8+s6], $0x20, s6, s6, $0xb8;
	[tilespmem:$0x10800] =	vst v63  }
0x35: {  	_ = 	snop  }
0x36: {  	[tilespmem:s13], [sflag:$0x1] =	stream.indirect.gather [hbm4b:s9+s6], $0x20, s12, s6, $0xb8;
	[tilespmem:$0x10800] =	vst v63  }
0x37: {  	_ = 	snop  }
0x38: {  	[tilespmem:s15], [sflag:$0x1] =	stream.indirect.gather [hbm4b:s11+s6], $0x20, s14, s6, $0xb8;
	[tilespmem:$0x10800] =	vst v63  }
0x39: {  	_ =	swait.ge [sflag:s16], $0x4000  }
0x3a: {  	[sflag:s16] =	ssyncset.done $0x0  }
0x3b: {  	[sflag:s16] =	ssyncadd.s32 $0xFFFFC000  }
0x3c: {  	[hbm4b:s17+s18] =	stream.strided.scatter [tilespmem:s7], [sflag:$0x2], $0x4000, s19, s18, $0x38;
	[tilespmem:$0x10800] =	vst v63  }
0x3d: {  	_ =	swait.ge [sflag:s16], $0x4000  }
0x3e: {  	[sflag:s16] =	ssyncset.done $0x0  }
0x3f: {  	[sflag:s16] =	ssyncadd.s32 $0xFFFFC000  }
0x40: {  	[hbm4b:s20+s18] =	stream.strided.scatter [tilespmem:s10], [sflag:$0x2], $0x4000, s19, s18, $0x38;
	[tilespmem:$0x10800] =	vst v63  }
0x41: {  	_ =	swait.ge [sflag:s16], $0x4000  }
0x42: {  	[sflag:s16] =	ssyncset.done $0x0  }
0x43: {  	[sflag:s16] =	ssyncadd.s32 $0xFFFFC000  }
0x44: {  	[hbm4b:s21+s18] =	stream.strided.scatter [tilespmem:s13], [sflag:$0x2], $0x4000, s19, s18, $0x38;
	[tilespmem:$0x10800] =	vst v63  }
0x45: {  	_ =	swait.ge [sflag:s16], $0x4000  }
0x46: {  	[sflag:s16] =	ssyncset.done $0x0  }
0x47: {  	[sflag:s16] =	ssyncadd.s32 $0xFFFFC000  }
0x48: {  	[hbm4b:s23+s18] =	stream.strided.scatter [tilespmem:s15], [sflag:$0x2], $0x4000, s19, s18, $0x38;
	[tilespmem:$0x10800] =	vst v63  }
0x49: {  	_ =	swait.ge [sflag:s22], $0x4000  }
0x4a: {  	[sflag:s22] =	ssyncset.done $0x0  }
0x4b: {  	[sflag:s22] =	ssyncadd.s32 $0xFFFFC000  }
0x4c: {  	_ =	swait.ge [sflag:s22], $0x4000  }
0x4d: {  	[sflag:s22] =	ssyncset.done $0x0  }
0x4e: {  	[sflag:s22] =	ssyncadd.s32 $0xFFFFC000  }
.Ltmp1:
0x4f: {  	_ =	swait.ge [sflag:s22], $0x4000;
	(pc) =	sbr.rel @p0 .LBB2_1-.Ltmp1, $4  }
0x50: {  	[sflag:s22] =	ssyncset.done $0x0  }
0x51: {  	[sflag:s22] =	ssyncadd.s32 $0xFFFFC000  }
0x52: {  	_ =	swait.ge [sflag:s22], $0x4000  }
0x53: {  	[sflag:s22] =	ssyncset.done $0x0  }
.LBB2_2:
0x54: {  	[sflag:s22] =	ssyncadd.s32 $0xFFFFC000  }
0x55: {  	_ =	sfence.sel $0x180000  }
0x56: {  	[bflag:$0x0] =	sbarrier.arrive $0xFFFF  }
0x57: {  	p0 =	sne.s32 s0, $0x0;
	_ =	strace $0x90000047  }
0x58: {  	s0 =	sadd.s32 @!p0 $0x100000, s1;
	[bflag:$0x2] =	sbarrier.arrive $0xFFFF  }
0x59: {  	[sflag:s0] =	ssyncadd.tile.s32 @!p0 $0x1;
	_ =	shalt  }
.Lfunc_end2:
_tile_overlayer_lowered:
.L_overlay_start_2:
0x5a: {  	(tag) =	ssettag $0x2  }
0x5b: {  	s0 =	rddreg [dreg:$0x0];
	s2 =	stileid.u32  }
0x5c: {  	s1 =	rddreg [dreg:$0x1];
	p0 =	sne.s32 s2, $0x0  }
0x5d: {  	s3 =	rddreg [dreg:$0x2];
	[bflag:$0x3] =	sbarrier.arrive $0xFFFF;
	s2 =	simm.s32 @!p0 $0x1C03  }
0x5e: {  	[timem:s3], [sflag:s2] =	dma.local @!p0 [hbm:s0], s1  }
0x5f: {  	s0 =	simm.s32 @!p0 $0x3  }
0x60: {  	_ =	swait.ge @!p0 [sflag:s0], s1  }
0x61: {  	s1 =	ssub.s32 @!p0 $0x0, s1;
	[sflag:s0] =	ssyncset.done @!p0 $0x0  }
0x62: {  	[sflag:s0] =	ssyncadd.s32 @!p0 s1  }
0x63: {  	[bflag:$0x3] =	sbarrier.arrive $0xFFFF  }
0x64: {  	_ =	shalt  }

</sc_bundles>
